<compile_context>
chip_gen: v7x
topology: tpu7x:2x2x1
jax: 0.10.2.dev20260603
libtpu: 0.0.44.dev20260713+nightly
codegen_flags: <defaults>
</compile_context>

<pallas_src>
import dataclasses

import jax
import jax.numpy as jnp
from jax import lax
from jax.experimental import pallas as pl
from jax.experimental.pallas import tpu as pltpu
from jax.experimental.pallas import tpu_sc as plsc
from jax.experimental import layout as jex_layout

_NC, _NS = 2, 16
_NW = _NC * _NS
_BLK = 4


def kernel(tensor, table):
    batch, hist = tensor.shape
    vocab, embed = table.shape
    n = batch * hist
    per_wb = batch // _NW
    per_w = per_wb * hist
    rows_k = _BLK * hist
    nchunk = per_wb // _BLK
    idx_flat = tensor.reshape(n)
    table_lin = jex_layout.with_layout_constraint(
        table, jex_layout.Layout(major_to_minor=(0, 1), tiling=())
    )

    mesh = plsc.VectorSubcoreMesh(
        core_axis_name="core", subcore_axis_name="subcore"
    )
    cp = pltpu.CompilerParams()
    if "needs_layout_passes" in pltpu.CompilerParams.__dataclass_fields__:
        cp = dataclasses.replace(cp, needs_layout_passes=False)

    @pl.kernel(
        compiler_params=cp,
        out_type=jax.ShapeDtypeStruct((batch, hist, embed), table.dtype),
        mesh=mesh,
        scratch_types=[
            pltpu.VMEM((rows_k,), jnp.int32),
            pltpu.VMEM((rows_k,), jnp.int32),
            pltpu.VMEM((2 * rows_k,), jnp.int32),
            pltpu.VMEM((2 * rows_k,), jnp.int32),
            pltpu.VMEM((2 * rows_k, embed), jnp.float32),
            pltpu.VMEM((2 * rows_k, embed), jnp.float32),
            pltpu.SemaphoreType.DMA,
            pltpu.SemaphoreType.DMA,
            pltpu.SemaphoreType.DMA,
            pltpu.SemaphoreType.DMA,
            pltpu.SemaphoreType.DMA,
            pltpu.SemaphoreType.DMA,
        ],
    )
    def gather_kernel(
        table_hbm, idx_hbm, out_hbm,
        idxk0, idxk1, idxc0, idxc1, dst0, dst1,
        isem0, isem1, gsem0, gsem1, osem0, osem1,
    ):
        wid = lax.axis_index("subcore") * _NC + lax.axis_index("core")
        base = wid * per_w
        bbase = wid * per_wb
        half_lanes = lax.shift_right_logical(lax.iota(jnp.int32, 16), 1)

        def start_ik(chunk, idxk, isem):
            chunk = jnp.minimum(chunk, nchunk - 1)
            return pltpu.async_copy(
                idx_hbm.at[pl.ds(base + chunk * rows_k, rows_k)], idxk, isem
            )

        def fill(idxk, idxc):
            @pl.loop(0, 2 * rows_k, step=16)
            def _(s):
                v = plsc.load_gather(
                    idxk, [lax.shift_right_logical(s, 1) + half_lanes]
                )
                idxc[pl.ds(s, 16)] = v + v

        def start_gather(idxc, dst, gsem):
            return pltpu.async_copy(table_hbm.at[idxc], dst, gsem)

        def start_out(dst, chunk, osem):
            return pltpu.async_copy(
                dst.at[pl.ds(0, rows_k)].reshape(_BLK, hist, embed),
                out_hbm.at[pl.ds(bbase + chunk * _BLK, _BLK)],
                osem,
            )

        i0 = start_ik(0, idxk0, isem0)
        i1 = start_ik(1, idxk1, isem1)
        i0.wait()
        fill(idxk0, idxc0)
        start_ik(2, idxk0, isem0)
        g0 = start_gather(idxc0, dst0, gsem0)
        i1.wait()
        fill(idxk1, idxc1)
        start_ik(3, idxk1, isem1)
        g1 = start_gather(idxc1, dst1, gsem1)

        @pl.loop(0, (nchunk - 2) // 2)
        def _(k):
            g0.wait()
            o0 = start_out(dst0, 2 * k, osem0)
            i0.wait()
            fill(idxk0, idxc0)
            start_ik(2 * k + 4, idxk0, isem0)
            o0.wait()
            start_gather(idxc0, dst0, gsem0)
            g1.wait()
            o1 = start_out(dst1, 2 * k + 1, osem1)
            i1.wait()
            fill(idxk1, idxc1)
            start_ik(2 * k + 5, idxk1, isem1)
            o1.wait()
            start_gather(idxc1, dst1, gsem1)

        g0.wait()
        o0 = start_out(dst0, nchunk - 2, osem0)
        g1.wait()
        o1 = start_out(dst1, nchunk - 1, osem1)
        i0.wait()
        i1.wait()
        o0.wait()
        o1.wait()

    return gather_kernel(table_lin, idx_flat)

# --- scband reference (transcript-rebuilt; emitter-appended) ---
"""Pipeline reference for scband-token-embedding-1614907704008 (READ-ONLY COPY).

The authoritative reference and input builder live on the scoring server;
editing this copy changes nothing except your own understanding.
"""

import jax, jax.numpy as jnp
import numpy as np

VOCAB = 1000000
EMBED = 64
BATCH = 16384
HIST = 50

def setup_inputs(seed: int = 0) -> dict:
    key = jax.random.key(seed)
    k_idx, k_tab = jax.random.split(key)
    indices = jax.random.randint(k_idx, (BATCH, HIST), 0, VOCAB, dtype=jnp.int32)
    table = jax.random.normal(k_tab, (VOCAB, EMBED), dtype=jnp.float32)
    return {"tensor": indices, "table": table}

def reference(tensor, table):
    # TokenEmbedding.forward with inp_features=None: pure embedding lookup
    out = jnp.take(table, tensor, axis=0)
    return out

if __name__ == "__main__":
    import jax
    _d = setup_inputs()
    print(jax.jit(kernel)(*tuple(_d.values())))

</pallas_src>

<mosaic_0001>
#map = affine_map<(d0, d1) -> (0, 0)>
#map1 = affine_map<(d0, d1) -> (0)>
#map2 = affine_map<(d0, d1) -> (0, 0, 0)>
module attributes {stable_mosaic.version = 14 : i64} {
  func.func @gather_kernel(%arg0: i32, %arg1: i32, %arg2: memref<1000000x64xf32, #tpu.memory_space<hbm>>, %arg3: memref<819200xi32, #tpu.memory_space<hbm>>, %arg4: memref<16384x50x64xf32, #tpu.memory_space<hbm>>, %arg5: memref<200xi32, #tpu.memory_space<vmem>>, %arg6: memref<200xi32, #tpu.memory_space<vmem>>, %arg7: memref<400xi32, #tpu.memory_space<vmem>>, %arg8: memref<400xi32, #tpu.memory_space<vmem>>, %arg9: memref<400x64xf32, #tpu.memory_space<vmem>>, %arg10: memref<400x64xf32, #tpu.memory_space<vmem>>, %arg11: memref<!tpu.dma_semaphore, #tpu.memory_space<semaphore_mem>>, %arg12: memref<!tpu.dma_semaphore, #tpu.memory_space<semaphore_mem>>, %arg13: memref<!tpu.dma_semaphore, #tpu.memory_space<semaphore_mem>>, %arg14: memref<!tpu.dma_semaphore, #tpu.memory_space<semaphore_mem>>, %arg15: memref<!tpu.dma_semaphore, #tpu.memory_space<semaphore_mem>>, %arg16: memref<!tpu.dma_semaphore, #tpu.memory_space<semaphore_mem>>) attributes {dimension_semantics = [#tpu.dimension_semantics<core_parallel>, #tpu.dimension_semantics<subcore_parallel>], iteration_bounds = array<i64: 2, 16>, scalar_prefetch = 0 : i64, scratch_operands = 12 : i64, tpu.core_type = #tpu.core_type<sc_vector_subcore>, window_params = [{transform_indices = #map}, {transform_indices = #map1}, {transform_indices = #map2}]} {
    %mul3A = arith.constant 2 : i32
    %mul3A_0 = arith.muli %arg1, %mul3A : i32
    %add3A = arith.addi %mul3A_0, %arg0 : i32
    %mul3A_1 = arith.constant 25600 : i32
    %mul3A_2 = arith.muli %add3A, %mul3A_1 : i32
    %mul3A_3 = arith.constant 512 : i32
    %mul3A_4 = arith.muli %add3A, %mul3A_3 : i32
    %iota3A = tpu.iota {dimensions = array<i32: 0>} : vector<16xi32>
    %shift_right_logical3A = arith.constant 1 : i32
    %shift_right_logical3A_5 = vector.broadcast %shift_right_logical3A : i32 to vector<16xi32>
    %shift_right_logical3A_6 = arith.shrui %iota3A, %shift_right_logical3A_5 : vector<16xi32>
    %min3A = arith.constant 0 : i32
    %min3A_7 = arith.constant 127 : i32
    %min3A_8 = arith.minsi %min3A, %min3A_7 : i32
    %mul3A_9 = arith.constant 200 : i32
    %mul3A_10 = arith.muli %min3A_8, %mul3A_9 : i32
    %add3A_11 = arith.addi %mul3A_2, %mul3A_10 : i32
    %dma_start3A = tpu.memref_slice %arg3[%add3A_11] : memref<819200xi32, #tpu.memory_space<hbm>> -> memref<200xi32, #tpu.memory_space<hbm>>
    %dma_start3A_12 = tpu.memref_slice %arg3[%add3A_11] : memref<819200xi32, #tpu.memory_space<hbm>> -> memref<200xi32, #tpu.memory_space<hbm>>
    tpu.enqueue_dma source(%dma_start3A_12 : memref<200xi32, #tpu.memory_space<hbm>>) target(%arg5 : memref<200xi32, #tpu.memory_space<vmem>>) target_semaphore(%arg11 : memref<!tpu.dma_semaphore, #tpu.memory_space<semaphore_mem>>)
    %min3A_13 = arith.constant 1 : i32
    %min3A_14 = arith.constant 127 : i32
    %min3A_15 = arith.minsi %min3A_13, %min3A_14 : i32
    %mul3A_16 = arith.constant 200 : i32
    %mul3A_17 = arith.muli %min3A_15, %mul3A_16 : i32
    %add3A_18 = arith.addi %mul3A_2, %mul3A_17 : i32
    %dma_start3A_19 = tpu.memref_slice %arg3[%add3A_18] : memref<819200xi32, #tpu.memory_space<hbm>> -> memref<200xi32, #tpu.memory_space<hbm>>
    %dma_start3A_20 = tpu.memref_slice %arg3[%add3A_18] : memref<819200xi32, #tpu.memory_space<hbm>> -> memref<200xi32, #tpu.memory_space<hbm>>
    tpu.enqueue_dma source(%dma_start3A_20 : memref<200xi32, #tpu.memory_space<hbm>>) target(%arg6 : memref<200xi32, #tpu.memory_space<vmem>>) target_semaphore(%arg12 : memref<!tpu.dma_semaphore, #tpu.memory_space<semaphore_mem>>)
    %dma_wait3A = tpu.memref_slice %arg3[%add3A_11] : memref<819200xi32, #tpu.memory_space<hbm>> -> memref<200xi32, #tpu.memory_space<hbm>>
    %dma_wait3A_21 = tpu.memref_slice %arg3[%add3A_11] : memref<819200xi32, #tpu.memory_space<hbm>> -> memref<200xi32, #tpu.memory_space<hbm>>
    tpu.wait_dma2 semaphore(%arg11 : memref<!tpu.dma_semaphore, #tpu.memory_space<semaphore_mem>>) src(%dma_wait3A_21 : memref<200xi32, #tpu.memory_space<hbm>>) dst(%arg5 : memref<200xi32, #tpu.memory_space<vmem>>)
    %scan3A = arith.constant 0 : i32
    %scan3A_22 = arith.constant 25 : i32
    %scan3A_23 = arith.addi %scan3A, %scan3A_22 : i32
    %scan3A_24 = arith.constant 1 : i32
    scf.for %scan3A_130 = %scan3A to %scan3A_23 step %scan3A_24  : i32 {
      %mul3A_131 = arith.constant 16 : i32
      %mul3A_132 = arith.muli %scan3A_130, %mul3A_131 : i32
      %add3A_133 = arith.constant 0 : i32
      %add3A_134 = arith.addi %add3A_133, %mul3A_132 : i32
      %shift_right_logical3A_135 = arith.constant 1 : i32
      %shift_right_logical3A_136 = arith.shrui %add3A_134, %shift_right_logical3A_135 : i32
      %add3A_137 = vector.broadcast %shift_right_logical3A_136 : i32 to vector<16xi32>
      %add3A_138 = arith.addi %add3A_137, %shift_right_logical3A_6 : vector<16xi32>
      %gather3A = tpu.vector_load_idx %arg5[%add3A_138] : memref<200xi32, #tpu.memory_space<vmem>>[vector<16xi32>], vector<16xi32>,
      %add3A_139 = arith.addi %gather3A, %gather3A : vector<16xi32>
      %swap3A = arith.index_cast %add3A_134 : i32 to index
      %swap3A_140 = tpu.vector_load %arg7[%swap3A] {strides = array<i32>} : memref<400xi32, #tpu.memory_space<vmem>>, vector<16xi32>,
      tpu.vector_store %arg7[%swap3A], %add3A_139 {strides = array<i32>} : memref<400xi32, #tpu.memory_space<vmem>>, vector<16xi32>,
    }
    %scan3A_25 = arith.constant 25 : i32
    %min3A_26 = arith.constant 2 : i32
    %min3A_27 = arith.constant 127 : i32
    %min3A_28 = arith.minsi %min3A_26, %min3A_27 : i32
    %mul3A_29 = arith.constant 200 : i32
    %mul3A_30 = arith.muli %min3A_28, %mul3A_29 : i32
    %add3A_31 = arith.addi %mul3A_2, %mul3A_30 : i32
    %dma_start3A_32 = tpu.memref_slice %arg3[%add3A_31] : memref<819200xi32, #tpu.memory_space<hbm>> -> memref<200xi32, #tpu.memory_space<hbm>>
    %dma_start3A_33 = tpu.memref_slice %arg3[%add3A_31] : memref<819200xi32, #tpu.memory_space<hbm>> -> memref<200xi32, #tpu.memory_space<hbm>>
    tpu.enqueue_dma source(%dma_start3A_33 : memref<200xi32, #tpu.memory_space<hbm>>) target(%arg5 : memref<200xi32, #tpu.memory_space<vmem>>) target_semaphore(%arg11 : memref<!tpu.dma_semaphore, #tpu.memory_space<semaphore_mem>>)
    %dma_start3A_34 = arith.constant 0 : i32
    %dma_start3A_35 = arith.constant 0 : i32
    %dma_start3A_36 = tpu.memref_slice %arg2[%dma_start3A_34, %dma_start3A_35] : memref<1000000x64xf32, #tpu.memory_space<hbm>> -> memref<1000000x64xf32, #tpu.memory_space<hbm>>
    tpu.enqueue_indirect_dma source(%dma_start3A_36 : memref<1000000x64xf32, #tpu.memory_space<hbm>>) target(%arg9 : memref<400x64xf32, #tpu.memory_space<vmem>>) offsets(%arg7 : memref<400xi32, #tpu.memory_space<vmem>>) semaphore(%arg13 : memref<!tpu.dma_semaphore, #tpu.memory_space<semaphore_mem>>)
    %dma_wait3A_37 = tpu.memref_slice %arg3[%add3A_18] : memref<819200xi32, #tpu.memory_space<hbm>> -> memref<200xi32, #tpu.memory_space<hbm>>
    %dma_wait3A_38 = tpu.memref_slice %arg3[%add3A_18] : memref<819200xi32, #tpu.memory_space<hbm>> -> memref<200xi32, #tpu.memory_space<hbm>>
    tpu.wait_dma2 semaphore(%arg12 : memref<!tpu.dma_semaphore, #tpu.memory_space<semaphore_mem>>) src(%dma_wait3A_38 : memref<200xi32, #tpu.memory_space<hbm>>) dst(%arg6 : memref<200xi32, #tpu.memory_space<vmem>>)
    %scan3A_39 = arith.constant 0 : i32
    %scan3A_40 = arith.constant 25 : i32
    %scan3A_41 = arith.addi %scan3A_39, %scan3A_40 : i32
    %scan3A_42 = arith.constant 1 : i32
    scf.for %scan3A_130 = %scan3A_39 to %scan3A_41 step %scan3A_42  : i32 {
      %mul3A_131 = arith.constant 16 : i32
      %mul3A_132 = arith.muli %scan3A_130, %mul3A_131 : i32
      %add3A_133 = arith.constant 0 : i32
      %add3A_134 = arith.addi %add3A_133, %mul3A_132 : i32
      %shift_right_logical3A_135 = arith.constant 1 : i32
      %shift_right_logical3A_136 = arith.shrui %add3A_134, %shift_right_logical3A_135 : i32
      %add3A_137 = vector.broadcast %shift_right_logical3A_136 : i32 to vector<16xi32>
      %add3A_138 = arith.addi %add3A_137, %shift_right_logical3A_6 : vector<16xi32>
      %gather3A = tpu.vector_load_idx %arg6[%add3A_138] : memref<200xi32, #tpu.memory_space<vmem>>[vector<16xi32>], vector<16xi32>,
      %add3A_139 = arith.addi %gather3A, %gather3A : vector<16xi32>
      %swap3A = arith.index_cast %add3A_134 : i32 to index
      %swap3A_140 = tpu.vector_load %arg8[%swap3A] {strides = array<i32>} : memref<400xi32, #tpu.memory_space<vmem>>, vector<16xi32>,
      tpu.vector_store %arg8[%swap3A], %add3A_139 {strides = array<i32>} : memref<400xi32, #tpu.memory_space<vmem>>, vector<16xi32>,
    }
    %scan3A_43 = arith.constant 25 : i32
    %min3A_44 = arith.constant 3 : i32
    %min3A_45 = arith.constant 127 : i32
    %min3A_46 = arith.minsi %min3A_44, %min3A_45 : i32
    %mul3A_47 = arith.constant 200 : i32
    %mul3A_48 = arith.muli %min3A_46, %mul3A_47 : i32
    %add3A_49 = arith.addi %mul3A_2, %mul3A_48 : i32
    %dma_start3A_50 = tpu.memref_slice %arg3[%add3A_49] : memref<819200xi32, #tpu.memory_space<hbm>> -> memref<200xi32, #tpu.memory_space<hbm>>
    %dma_start3A_51 = tpu.memref_slice %arg3[%add3A_49] : memref<819200xi32, #tpu.memory_space<hbm>> -> memref<200xi32, #tpu.memory_space<hbm>>
    tpu.enqueue_dma source(%dma_start3A_51 : memref<200xi32, #tpu.memory_space<hbm>>) target(%arg6 : memref<200xi32, #tpu.memory_space<vmem>>) target_semaphore(%arg12 : memref<!tpu.dma_semaphore, #tpu.memory_space<semaphore_mem>>)
    %dma_start3A_52 = arith.constant 0 : i32
    %dma_start3A_53 = arith.constant 0 : i32
    %dma_start3A_54 = tpu.memref_slice %arg2[%dma_start3A_52, %dma_start3A_53] : memref<1000000x64xf32, #tpu.memory_space<hbm>> -> memref<1000000x64xf32, #tpu.memory_space<hbm>>
    tpu.enqueue_indirect_dma source(%dma_start3A_54 : memref<1000000x64xf32, #tpu.memory_space<hbm>>) target(%arg10 : memref<400x64xf32, #tpu.memory_space<vmem>>) offsets(%arg8 : memref<400xi32, #tpu.memory_space<vmem>>) semaphore(%arg14 : memref<!tpu.dma_semaphore, #tpu.memory_space<semaphore_mem>>)
    %scan3A_55 = arith.constant 0 : i32
    %scan3A_56 = arith.constant 63 : i32
    %scan3A_57 = arith.addi %scan3A_55, %scan3A_56 : i32
    %scan3A_58 = arith.constant 1 : i32
    scf.for %scan3A_130 = %scan3A_55 to %scan3A_57 step %scan3A_58  : i32 {
      %mul3A_131 = arith.constant 1 : i32
      %mul3A_132 = arith.muli %scan3A_130, %mul3A_131 : i32
      %add3A_133 = arith.constant 0 : i32
      %add3A_134 = arith.addi %add3A_133, %mul3A_132 : i32
      %dma_wait3A_135 = arith.constant 0 : i32
      %dma_wait3A_136 = arith.constant 0 : i32
      %dma_wait3A_137 = tpu.memref_slice %arg2[%dma_wait3A_135, %dma_wait3A_136] : memref<1000000x64xf32, #tpu.memory_space<hbm>> -> memref<1000000x64xf32, #tpu.memory_space<hbm>>
      tpu.wait_indirect_dma semaphore(%arg13 : memref<!tpu.dma_semaphore, #tpu.memory_space<semaphore_mem>>) src(%dma_wait3A_137 : memref<1000000x64xf32, #tpu.memory_space<hbm>>) dst(%arg9 : memref<400x64xf32, #tpu.memory_space<vmem>>)
      %mul3A_138 = arith.constant 2 : i32
      %mul3A_139 = arith.muli %mul3A_138, %add3A_134 : i32
      %mul3A_140 = arith.constant 4 : i32
      %mul3A_141 = arith.muli %mul3A_139, %mul3A_140 : i32
      %add3A_142 = arith.addi %mul3A_4, %mul3A_141 : i32
      %dma_start3A_143 = arith.constant 0 : i32
      %dma_start3A_144 = arith.constant 0 : i32
      %dma_start3A_145 = tpu.memref_slice %arg9[%dma_start3A_143, %dma_start3A_144] : memref<400x64xf32, #tpu.memory_space<vmem>> -> memref<200x64xf32, #tpu.memory_space<vmem>>
      %dma_start3A_146 = tpu.memref_reshape %dma_start3A_145 : memref<200x64xf32, #tpu.memory_space<vmem>> -> memref<4x50x64xf32, #tpu.memory_space<vmem>>
      %dma_start3A_147 = arith.constant 0 : i32
      %dma_start3A_148 = arith.constant 0 : i32
      %dma_start3A_149 = tpu.memref_slice %arg4[%add3A_142, %dma_start3A_147, %dma_start3A_148] : memref<16384x50x64xf32, #tpu.memory_space<hbm>> -> memref<4x50x64xf32, #tpu.memory_space<hbm>>
      %dma_start3A_150 = arith.constant 0 : i32
      %dma_start3A_151 = arith.constant 0 : i32
      %dma_start3A_152 = tpu.memref_slice %arg4[%add3A_142, %dma_start3A_150, %dma_start3A_151] : memref<16384x50x64xf32, #tpu.memory_space<hbm>> -> memref<4x50x64xf32, #tpu.memory_space<hbm>>
      %dma_start3A_153 = arith.constant 0 : i32
      %dma_start3A_154 = arith.constant 0 : i32
      %dma_start3A_155 = tpu.memref_slice %arg9[%dma_start3A_153, %dma_start3A_154] : memref<400x64xf32, #tpu.memory_space<vmem>> -> memref<200x64xf32, #tpu.memory_space<vmem>>
      %dma_start3A_156 = tpu.memref_reshape %dma_start3A_155 : memref<200x64xf32, #tpu.memory_space<vmem>> -> memref<4x50x64xf32, #tpu.memory_space<vmem>>
      tpu.enqueue_dma source(%dma_start3A_156 : memref<4x50x64xf32, #tpu.memory_space<vmem>>) target(%dma_start3A_152 : memref<4x50x64xf32, #tpu.memory_space<hbm>>) target_semaphore(%arg15 : memref<!tpu.dma_semaphore, #tpu.memory_space<semaphore_mem>>)
      %dma_wait3A_157 = tpu.memref_slice %arg3[%add3A_11] : memref<819200xi32, #tpu.memory_space<hbm>> -> memref<200xi32, #tpu.memory_space<hbm>>
      %dma_wait3A_158 = tpu.memref_slice %arg3[%add3A_11] : memref<819200xi32, #tpu.memory_space<hbm>> -> memref<200xi32, #tpu.memory_space<hbm>>
      tpu.wait_dma2 semaphore(%arg11 : memref<!tpu.dma_semaphore, #tpu.memory_space<semaphore_mem>>) src(%dma_wait3A_158 : memref<200xi32, #tpu.memory_space<hbm>>) dst(%arg5 : memref<200xi32, #tpu.memory_space<vmem>>)
      %scan3A_159 = arith.constant 0 : i32
      %scan3A_160 = arith.constant 25 : i32
      %scan3A_161 = arith.addi %scan3A_159, %scan3A_160 : i32
      %scan3A_162 = arith.constant 1 : i32
      scf.for %scan3A_251 = %scan3A_159 to %scan3A_161 step %scan3A_162  : i32 {
        %mul3A_252 = arith.constant 16 : i32
        %mul3A_253 = arith.muli %scan3A_251, %mul3A_252 : i32
        %add3A_254 = arith.constant 0 : i32
        %add3A_255 = arith.addi %add3A_254, %mul3A_253 : i32
        %shift_right_logical3A_256 = arith.constant 1 : i32
        %shift_right_logical3A_257 = arith.shrui %add3A_255, %shift_right_logical3A_256 : i32
        %add3A_258 = vector.broadcast %shift_right_logical3A_257 : i32 to vector<16xi32>
        %add3A_259 = arith.addi %add3A_258, %shift_right_logical3A_6 : vector<16xi32>
        %gather3A = tpu.vector_load_idx %arg5[%add3A_259] : memref<200xi32, #tpu.memory_space<vmem>>[vector<16xi32>], vector<16xi32>,
        %add3A_260 = arith.addi %gather3A, %gather3A : vector<16xi32>
        %swap3A = arith.index_cast %add3A_255 : i32 to index
        %swap3A_261 = tpu.vector_load %arg7[%swap3A] {strides = array<i32>} : memref<400xi32, #tpu.memory_space<vmem>>, vector<16xi32>,
        tpu.vector_store %arg7[%swap3A], %add3A_260 {strides = array<i32>} : memref<400xi32, #tpu.memory_space<vmem>>, vector<16xi32>,
      }
      %scan3A_163 = arith.constant 25 : i32
      %mul3A_164 = arith.constant 2 : i32
      %mul3A_165 = arith.muli %mul3A_164, %add3A_134 : i32
      %add3A_166 = arith.constant 4 : i32
      %add3A_167 = arith.addi %mul3A_165, %add3A_166 : i32
      %min3A_168 = arith.constant 127 : i32
      %min3A_169 = arith.minsi %add3A_167, %min3A_168 : i32
      %mul3A_170 = arith.constant 200 : i32
      %mul3A_171 = arith.muli %min3A_169, %mul3A_170 : i32
      %add3A_172 = arith.addi %mul3A_2, %mul3A_171 : i32
      %dma_start3A_173 = tpu.memref_slice %arg3[%add3A_172] : memref<819200xi32, #tpu.memory_space<hbm>> -> memref<200xi32, #tpu.memory_space<hbm>>
      %dma_start3A_174 = tpu.memref_slice %arg3[%add3A_172] : memref<819200xi32, #tpu.memory_space<hbm>> -> memref<200xi32, #tpu.memory_space<hbm>>
      tpu.enqueue_dma source(%dma_start3A_174 : memref<200xi32, #tpu.memory_space<hbm>>) target(%arg5 : memref<200xi32, #tpu.memory_space<vmem>>) target_semaphore(%arg11 : memref<!tpu.dma_semaphore, #tpu.memory_space<semaphore_mem>>)
      %dma_wait3A_175 = arith.constant 0 : i32
      %dma_wait3A_176 = arith.constant 0 : i32
      %dma_wait3A_177 = tpu.memref_slice %arg9[%dma_wait3A_175, %dma_wait3A_176] : memref<400x64xf32, #tpu.memory_space<vmem>> -> memref<200x64xf32, #tpu.memory_space<vmem>>
      %dma_wait3A_178 = tpu.memref_reshape %dma_wait3A_177 : memref<200x64xf32, #tpu.memory_space<vmem>> -> memref<4x50x64xf32, #tpu.memory_space<vmem>>
      %dma_wait3A_179 = arith.constant 0 : i32
      %dma_wait3A_180 = arith.constant 0 : i32
      %dma_wait3A_181 = tpu.memref_slice %arg4[%add3A_142, %dma_wait3A_179, %dma_wait3A_180] : memref<16384x50x64xf32, #tpu.memory_space<hbm>> -> memref<4x50x64xf32, #tpu.memory_space<hbm>>
      %dma_wait3A_182 = arith.constant 0 : i32
      %dma_wait3A_183 = arith.constant 0 : i32
      %dma_wait3A_184 = tpu.memref_slice %arg4[%add3A_142, %dma_wait3A_182, %dma_wait3A_183] : memref<16384x50x64xf32, #tpu.memory_space<hbm>> -> memref<4x50x64xf32, #tpu.memory_space<hbm>>
      %dma_wait3A_185 = arith.constant 0 : i32
      %dma_wait3A_186 = arith.constant 0 : i32
      %dma_wait3A_187 = tpu.memref_slice %arg9[%dma_wait3A_185, %dma_wait3A_186] : memref<400x64xf32, #tpu.memory_space<vmem>> -> memref<200x64xf32, #tpu.memory_space<vmem>>
      %dma_wait3A_188 = tpu.memref_reshape %dma_wait3A_187 : memref<200x64xf32, #tpu.memory_space<vmem>> -> memref<4x50x64xf32, #tpu.memory_space<vmem>>
      tpu.wait_dma2 semaphore(%arg15 : memref<!tpu.dma_semaphore, #tpu.memory_space<semaphore_mem>>) src(%dma_wait3A_188 : memref<4x50x64xf32, #tpu.memory_space<vmem>>) dst(%dma_wait3A_184 : memref<4x50x64xf32, #tpu.memory_space<hbm>>)
      %dma_start3A_189 = arith.constant 0 : i32
      %dma_start3A_190 = arith.constant 0 : i32
      %dma_start3A_191 = tpu.memref_slice %arg2[%dma_start3A_189, %dma_start3A_190] : memref<1000000x64xf32, #tpu.memory_space<hbm>> -> memref<1000000x64xf32, #tpu.memory_space<hbm>>
      tpu.enqueue_indirect_dma source(%dma_start3A_191 : memref<1000000x64xf32, #tpu.memory_space<hbm>>) target(%arg9 : memref<400x64xf32, #tpu.memory_space<vmem>>) offsets(%arg7 : memref<400xi32, #tpu.memory_space<vmem>>) semaphore(%arg13 : memref<!tpu.dma_semaphore, #tpu.memory_space<semaphore_mem>>)
      %dma_wait3A_192 = arith.constant 0 : i32
      %dma_wait3A_193 = arith.constant 0 : i32
      %dma_wait3A_194 = tpu.memref_slice %arg2[%dma_wait3A_192, %dma_wait3A_193] : memref<1000000x64xf32, #tpu.memory_space<hbm>> -> memref<1000000x64xf32, #tpu.memory_space<hbm>>
      tpu.wait_indirect_dma semaphore(%arg14 : memref<!tpu.dma_semaphore, #tpu.memory_space<semaphore_mem>>) src(%dma_wait3A_194 : memref<1000000x64xf32, #tpu.memory_space<hbm>>) dst(%arg10 : memref<400x64xf32, #tpu.memory_space<vmem>>)
      %mul3A_195 = arith.constant 2 : i32
      %mul3A_196 = arith.muli %mul3A_195, %add3A_134 : i32
      %add3A_197 = arith.constant 1 : i32
      %add3A_198 = arith.addi %mul3A_196, %add3A_197 : i32
      %mul3A_199 = arith.constant 4 : i32
      %mul3A_200 = arith.muli %add3A_198, %mul3A_199 : i32
      %add3A_201 = arith.addi %mul3A_4, %mul3A_200 : i32
      %dma_start3A_202 = arith.constant 0 : i32
      %dma_start3A_203 = arith.constant 0 : i32
      %dma_start3A_204 = tpu.memref_slice %arg10[%dma_start3A_202, %dma_start3A_203] : memref<400x64xf32, #tpu.memory_space<vmem>> -> memref<200x64xf32, #tpu.memory_space<vmem>>
      %dma_start3A_205 = tpu.memref_reshape %dma_start3A_204 : memref<200x64xf32, #tpu.memory_space<vmem>> -> memref<4x50x64xf32, #tpu.memory_space<vmem>>
      %dma_start3A_206 = arith.constant 0 : i32
      %dma_start3A_207 = arith.constant 0 : i32
      %dma_start3A_208 = tpu.memref_slice %arg4[%add3A_201, %dma_start3A_206, %dma_start3A_207] : memref<16384x50x64xf32, #tpu.memory_space<hbm>> -> memref<4x50x64xf32, #tpu.memory_space<hbm>>
      %dma_start3A_209 = arith.constant 0 : i32
      %dma_start3A_210 = arith.constant 0 : i32
      %dma_start3A_211 = tpu.memref_slice %arg4[%add3A_201, %dma_start3A_209, %dma_start3A_210] : memref<16384x50x64xf32, #tpu.memory_space<hbm>> -> memref<4x50x64xf32, #tpu.memory_space<hbm>>
      %dma_start3A_212 = arith.constant 0 : i32
      %dma_start3A_213 = arith.constant 0 : i32
      %dma_start3A_214 = tpu.memref_slice %arg10[%dma_start3A_212, %dma_start3A_213] : memref<400x64xf32, #tpu.memory_space<vmem>> -> memref<200x64xf32, #tpu.memory_space<vmem>>
      %dma_start3A_215 = tpu.memref_reshape %dma_start3A_214 : memref<200x64xf32, #tpu.memory_space<vmem>> -> memref<4x50x64xf32, #tpu.memory_space<vmem>>
      tpu.enqueue_dma source(%dma_start3A_215 : memref<4x50x64xf32, #tpu.memory_space<vmem>>) target(%dma_start3A_211 : memref<4x50x64xf32, #tpu.memory_space<hbm>>) target_semaphore(%arg16 : memref<!tpu.dma_semaphore, #tpu.memory_space<semaphore_mem>>)
      %dma_wait3A_216 = tpu.memref_slice %arg3[%add3A_18] : memref<819200xi32, #tpu.memory_space<hbm>> -> memref<200xi32, #tpu.memory_space<hbm>>
      %dma_wait3A_217 = tpu.memref_slice %arg3[%add3A_18] : memref<819200xi32, #tpu.memory_space<hbm>> -> memref<200xi32, #tpu.memory_space<hbm>>
      tpu.wait_dma2 semaphore(%arg12 : memref<!tpu.dma_semaphore, #tpu.memory_space<semaphore_mem>>) src(%dma_wait3A_217 : memref<200xi32, #tpu.memory_space<hbm>>) dst(%arg6 : memref<200xi32, #tpu.memory_space<vmem>>)
      %scan3A_218 = arith.constant 0 : i32
      %scan3A_219 = arith.constant 25 : i32
      %scan3A_220 = arith.addi %scan3A_218, %scan3A_219 : i32
      %scan3A_221 = arith.constant 1 : i32
      scf.for %scan3A_251 = %scan3A_218 to %scan3A_220 step %scan3A_221  : i32 {
        %mul3A_252 = arith.constant 16 : i32
        %mul3A_253 = arith.muli %scan3A_251, %mul3A_252 : i32
        %add3A_254 = arith.constant 0 : i32
        %add3A_255 = arith.addi %add3A_254, %mul3A_253 : i32
        %shift_right_logical3A_256 = arith.constant 1 : i32
        %shift_right_logical3A_257 = arith.shrui %add3A_255, %shift_right_logical3A_256 : i32
        %add3A_258 = vector.broadcast %shift_right_logical3A_257 : i32 to vector<16xi32>
        %add3A_259 = arith.addi %add3A_258, %shift_right_logical3A_6 : vector<16xi32>
        %gather3A = tpu.vector_load_idx %arg6[%add3A_259] : memref<200xi32, #tpu.memory_space<vmem>>[vector<16xi32>], vector<16xi32>,
        %add3A_260 = arith.addi %gather3A, %gather3A : vector<16xi32>
        %swap3A = arith.index_cast %add3A_255 : i32 to index
        %swap3A_261 = tpu.vector_load %arg8[%swap3A] {strides = array<i32>} : memref<400xi32, #tpu.memory_space<vmem>>, vector<16xi32>,
        tpu.vector_store %arg8[%swap3A], %add3A_260 {strides = array<i32>} : memref<400xi32, #tpu.memory_space<vmem>>, vector<16xi32>,
      }
      %scan3A_222 = arith.constant 25 : i32
      %mul3A_223 = arith.constant 2 : i32
      %mul3A_224 = arith.muli %mul3A_223, %add3A_134 : i32
      %add3A_225 = arith.constant 5 : i32
      %add3A_226 = arith.addi %mul3A_224, %add3A_225 : i32
      %min3A_227 = arith.constant 127 : i32
      %min3A_228 = arith.minsi %add3A_226, %min3A_227 : i32
      %mul3A_229 = arith.constant 200 : i32
      %mul3A_230 = arith.muli %min3A_228, %mul3A_229 : i32
      %add3A_231 = arith.addi %mul3A_2, %mul3A_230 : i32
      %dma_start3A_232 = tpu.memref_slice %arg3[%add3A_231] : memref<819200xi32, #tpu.memory_space<hbm>> -> memref<200xi32, #tpu.memory_space<hbm>>
      %dma_start3A_233 = tpu.memref_slice %arg3[%add3A_231] : memref<819200xi32, #tpu.memory_space<hbm>> -> memref<200xi32, #tpu.memory_space<hbm>>
      tpu.enqueue_dma source(%dma_start3A_233 : memref<200xi32, #tpu.memory_space<hbm>>) target(%arg6 : memref<200xi32, #tpu.memory_space<vmem>>) target_semaphore(%arg12 : memref<!tpu.dma_semaphore, #tpu.memory_space<semaphore_mem>>)
      %dma_wait3A_234 = arith.constant 0 : i32
      %dma_wait3A_235 = arith.constant 0 : i32
      %dma_wait3A_236 = tpu.memref_slice %arg10[%dma_wait3A_234, %dma_wait3A_235] : memref<400x64xf32, #tpu.memory_space<vmem>> -> memref<200x64xf32, #tpu.memory_space<vmem>>
      %dma_wait3A_237 = tpu.memref_reshape %dma_wait3A_236 : memref<200x64xf32, #tpu.memory_space<vmem>> -> memref<4x50x64xf32, #tpu.memory_space<vmem>>
      %dma_wait3A_238 = arith.constant 0 : i32
      %dma_wait3A_239 = arith.constant 0 : i32
      %dma_wait3A_240 = tpu.memref_slice %arg4[%add3A_201, %dma_wait3A_238, %dma_wait3A_239] : memref<16384x50x64xf32, #tpu.memory_space<hbm>> -> memref<4x50x64xf32, #tpu.memory_space<hbm>>
      %dma_wait3A_241 = arith.constant 0 : i32
      %dma_wait3A_242 = arith.constant 0 : i32
      %dma_wait3A_243 = tpu.memref_slice %arg4[%add3A_201, %dma_wait3A_241, %dma_wait3A_242] : memref<16384x50x64xf32, #tpu.memory_space<hbm>> -> memref<4x50x64xf32, #tpu.memory_space<hbm>>
      %dma_wait3A_244 = arith.constant 0 : i32
      %dma_wait3A_245 = arith.constant 0 : i32
      %dma_wait3A_246 = tpu.memref_slice %arg10[%dma_wait3A_244, %dma_wait3A_245] : memref<400x64xf32, #tpu.memory_space<vmem>> -> memref<200x64xf32, #tpu.memory_space<vmem>>
      %dma_wait3A_247 = tpu.memref_reshape %dma_wait3A_246 : memref<200x64xf32, #tpu.memory_space<vmem>> -> memref<4x50x64xf32, #tpu.memory_space<vmem>>
      tpu.wait_dma2 semaphore(%arg16 : memref<!tpu.dma_semaphore, #tpu.memory_space<semaphore_mem>>) src(%dma_wait3A_247 : memref<4x50x64xf32, #tpu.memory_space<vmem>>) dst(%dma_wait3A_243 : memref<4x50x64xf32, #tpu.memory_space<hbm>>)
      %dma_start3A_248 = arith.constant 0 : i32
      %dma_start3A_249 = arith.constant 0 : i32
      %dma_start3A_250 = tpu.memref_slice %arg2[%dma_start3A_248, %dma_start3A_249] : memref<1000000x64xf32, #tpu.memory_space<hbm>> -> memref<1000000x64xf32, #tpu.memory_space<hbm>>
      tpu.enqueue_indirect_dma source(%dma_start3A_250 : memref<1000000x64xf32, #tpu.memory_space<hbm>>) target(%arg10 : memref<400x64xf32, #tpu.memory_space<vmem>>) offsets(%arg8 : memref<400xi32, #tpu.memory_space<vmem>>) semaphore(%arg14 : memref<!tpu.dma_semaphore, #tpu.memory_space<semaphore_mem>>)
    }
    %scan3A_59 = arith.constant 63 : i32
    %dma_wait3A_60 = arith.constant 0 : i32
    %dma_wait3A_61 = arith.constant 0 : i32
    %dma_wait3A_62 = tpu.memref_slice %arg2[%dma_wait3A_60, %dma_wait3A_61] : memref<1000000x64xf32, #tpu.memory_space<hbm>> -> memref<1000000x64xf32, #tpu.memory_space<hbm>>
    tpu.wait_indirect_dma semaphore(%arg13 : memref<!tpu.dma_semaphore, #tpu.memory_space<semaphore_mem>>) src(%dma_wait3A_62 : memref<1000000x64xf32, #tpu.memory_space<hbm>>) dst(%arg9 : memref<400x64xf32, #tpu.memory_space<vmem>>)
    %add3A_63 = arith.constant 504 : i32
    %add3A_64 = arith.addi %mul3A_4, %add3A_63 : i32
    %dma_start3A_65 = arith.constant 0 : i32
    %dma_start3A_66 = arith.constant 0 : i32
    %dma_start3A_67 = tpu.memref_slice %arg9[%dma_start3A_65, %dma_start3A_66] : memref<400x64xf32, #tpu.memory_space<vmem>> -> memref<200x64xf32, #tpu.memory_space<vmem>>
    %dma_start3A_68 = tpu.memref_reshape %dma_start3A_67 : memref<200x64xf32, #tpu.memory_space<vmem>> -> memref<4x50x64xf32, #tpu.memory_space<vmem>>
    %dma_start3A_69 = arith.constant 0 : i32
    %dma_start3A_70 = arith.constant 0 : i32
    %dma_start3A_71 = tpu.memref_slice %arg4[%add3A_64, %dma_start3A_69, %dma_start3A_70] : memref<16384x50x64xf32, #tpu.memory_space<hbm>> -> memref<4x50x64xf32, #tpu.memory_space<hbm>>
    %dma_start3A_72 = arith.constant 0 : i32
    %dma_start3A_73 = arith.constant 0 : i32
    %dma_start3A_74 = tpu.memref_slice %arg4[%add3A_64, %dma_start3A_72, %dma_start3A_73] : memref<16384x50x64xf32, #tpu.memory_space<hbm>> -> memref<4x50x64xf32, #tpu.memory_space<hbm>>
    %dma_start3A_75 = arith.constant 0 : i32
    %dma_start3A_76 = arith.constant 0 : i32
    %dma_start3A_77 = tpu.memref_slice %arg9[%dma_start3A_75, %dma_start3A_76] : memref<400x64xf32, #tpu.memory_space<vmem>> -> memref<200x64xf32, #tpu.memory_space<vmem>>
    %dma_start3A_78 = tpu.memref_reshape %dma_start3A_77 : memref<200x64xf32, #tpu.memory_space<vmem>> -> memref<4x50x64xf32, #tpu.memory_space<vmem>>
    tpu.enqueue_dma source(%dma_start3A_78 : memref<4x50x64xf32, #tpu.memory_space<vmem>>) target(%dma_start3A_74 : memref<4x50x64xf32, #tpu.memory_space<hbm>>) target_semaphore(%arg15 : memref<!tpu.dma_semaphore, #tpu.memory_space<semaphore_mem>>)
    %dma_wait3A_79 = arith.constant 0 : i32
    %dma_wait3A_80 = arith.constant 0 : i32
    %dma_wait3A_81 = tpu.memref_slice %arg2[%dma_wait3A_79, %dma_wait3A_80] : memref<1000000x64xf32, #tpu.memory_space<hbm>> -> memref<1000000x64xf32, #tpu.memory_space<hbm>>
    tpu.wait_indirect_dma semaphore(%arg14 : memref<!tpu.dma_semaphore, #tpu.memory_space<semaphore_mem>>) src(%dma_wait3A_81 : memref<1000000x64xf32, #tpu.memory_space<hbm>>) dst(%arg10 : memref<400x64xf32, #tpu.memory_space<vmem>>)
    %add3A_82 = arith.constant 508 : i32
    %add3A_83 = arith.addi %mul3A_4, %add3A_82 : i32
    %dma_start3A_84 = arith.constant 0 : i32
    %dma_start3A_85 = arith.constant 0 : i32
    %dma_start3A_86 = tpu.memref_slice %arg10[%dma_start3A_84, %dma_start3A_85] : memref<400x64xf32, #tpu.memory_space<vmem>> -> memref<200x64xf32, #tpu.memory_space<vmem>>
    %dma_start3A_87 = tpu.memref_reshape %dma_start3A_86 : memref<200x64xf32, #tpu.memory_space<vmem>> -> memref<4x50x64xf32, #tpu.memory_space<vmem>>
    %dma_start3A_88 = arith.constant 0 : i32
    %dma_start3A_89 = arith.constant 0 : i32
    %dma_start3A_90 = tpu.memref_slice %arg4[%add3A_83, %dma_start3A_88, %dma_start3A_89] : memref<16384x50x64xf32, #tpu.memory_space<hbm>> -> memref<4x50x64xf32, #tpu.memory_space<hbm>>
    %dma_start3A_91 = arith.constant 0 : i32
    %dma_start3A_92 = arith.constant 0 : i32
    %dma_start3A_93 = tpu.memref_slice %arg4[%add3A_83, %dma_start3A_91, %dma_start3A_92] : memref<16384x50x64xf32, #tpu.memory_space<hbm>> -> memref<4x50x64xf32, #tpu.memory_space<hbm>>
    %dma_start3A_94 = arith.constant 0 : i32
    %dma_start3A_95 = arith.constant 0 : i32
    %dma_start3A_96 = tpu.memref_slice %arg10[%dma_start3A_94, %dma_start3A_95] : memref<400x64xf32, #tpu.memory_space<vmem>> -> memref<200x64xf32, #tpu.memory_space<vmem>>
    %dma_start3A_97 = tpu.memref_reshape %dma_start3A_96 : memref<200x64xf32, #tpu.memory_space<vmem>> -> memref<4x50x64xf32, #tpu.memory_space<vmem>>
    tpu.enqueue_dma source(%dma_start3A_97 : memref<4x50x64xf32, #tpu.memory_space<vmem>>) target(%dma_start3A_93 : memref<4x50x64xf32, #tpu.memory_space<hbm>>) target_semaphore(%arg16 : memref<!tpu.dma_semaphore, #tpu.memory_space<semaphore_mem>>)
    %dma_wait3A_98 = tpu.memref_slice %arg3[%add3A_11] : memref<819200xi32, #tpu.memory_space<hbm>> -> memref<200xi32, #tpu.memory_space<hbm>>
    %dma_wait3A_99 = tpu.memref_slice %arg3[%add3A_11] : memref<819200xi32, #tpu.memory_space<hbm>> -> memref<200xi32, #tpu.memory_space<hbm>>
    tpu.wait_dma2 semaphore(%arg11 : memref<!tpu.dma_semaphore, #tpu.memory_space<semaphore_mem>>) src(%dma_wait3A_99 : memref<200xi32, #tpu.memory_space<hbm>>) dst(%arg5 : memref<200xi32, #tpu.memory_space<vmem>>)
    %dma_wait3A_100 = tpu.memref_slice %arg3[%add3A_18] : memref<819200xi32, #tpu.memory_space<hbm>> -> memref<200xi32, #tpu.memory_space<hbm>>
    %dma_wait3A_101 = tpu.memref_slice %arg3[%add3A_18] : memref<819200xi32, #tpu.memory_space<hbm>> -> memref<200xi32, #tpu.memory_space<hbm>>
    tpu.wait_dma2 semaphore(%arg12 : memref<!tpu.dma_semaphore, #tpu.memory_space<semaphore_mem>>) src(%dma_wait3A_101 : memref<200xi32, #tpu.memory_space<hbm>>) dst(%arg6 : memref<200xi32, #tpu.memory_space<vmem>>)
    %dma_wait3A_102 = arith.constant 0 : i32
    %dma_wait3A_103 = arith.constant 0 : i32
    %dma_wait3A_104 = tpu.memref_slice %arg9[%dma_wait3A_102, %dma_wait3A_103] : memref<400x64xf32, #tpu.memory_space<vmem>> -> memref<200x64xf32, #tpu.memory_space<vmem>>
    %dma_wait3A_105 = tpu.memref_reshape %dma_wait3A_104 : memref<200x64xf32, #tpu.memory_space<vmem>> -> memref<4x50x64xf32, #tpu.memory_space<vmem>>
    %dma_wait3A_106 = arith.constant 0 : i32
    %dma_wait3A_107 = arith.constant 0 : i32
    %dma_wait3A_108 = tpu.memref_slice %arg4[%add3A_64, %dma_wait3A_106, %dma_wait3A_107] : memref<16384x50x64xf32, #tpu.memory_space<hbm>> -> memref<4x50x64xf32, #tpu.memory_space<hbm>>
    %dma_wait3A_109 = arith.constant 0 : i32
    %dma_wait3A_110 = arith.constant 0 : i32
    %dma_wait3A_111 = tpu.memref_slice %arg4[%add3A_64, %dma_wait3A_109, %dma_wait3A_110] : memref<16384x50x64xf32, #tpu.memory_space<hbm>> -> memref<4x50x64xf32, #tpu.memory_space<hbm>>
    %dma_wait3A_112 = arith.constant 0 : i32
    %dma_wait3A_113 = arith.constant 0 : i32
    %dma_wait3A_114 = tpu.memref_slice %arg9[%dma_wait3A_112, %dma_wait3A_113] : memref<400x64xf32, #tpu.memory_space<vmem>> -> memref<200x64xf32, #tpu.memory_space<vmem>>
    %dma_wait3A_115 = tpu.memref_reshape %dma_wait3A_114 : memref<200x64xf32, #tpu.memory_space<vmem>> -> memref<4x50x64xf32, #tpu.memory_space<vmem>>
    tpu.wait_dma2 semaphore(%arg15 : memref<!tpu.dma_semaphore, #tpu.memory_space<semaphore_mem>>) src(%dma_wait3A_115 : memref<4x50x64xf32, #tpu.memory_space<vmem>>) dst(%dma_wait3A_111 : memref<4x50x64xf32, #tpu.memory_space<hbm>>)
    %dma_wait3A_116 = arith.constant 0 : i32
    %dma_wait3A_117 = arith.constant 0 : i32
    %dma_wait3A_118 = tpu.memref_slice %arg10[%dma_wait3A_116, %dma_wait3A_117] : memref<400x64xf32, #tpu.memory_space<vmem>> -> memref<200x64xf32, #tpu.memory_space<vmem>>
    %dma_wait3A_119 = tpu.memref_reshape %dma_wait3A_118 : memref<200x64xf32, #tpu.memory_space<vmem>> -> memref<4x50x64xf32, #tpu.memory_space<vmem>>
    %dma_wait3A_120 = arith.constant 0 : i32
    %dma_wait3A_121 = arith.constant 0 : i32
    %dma_wait3A_122 = tpu.memref_slice %arg4[%add3A_83, %dma_wait3A_120, %dma_wait3A_121] : memref<16384x50x64xf32, #tpu.memory_space<hbm>> -> memref<4x50x64xf32, #tpu.memory_space<hbm>>
    %dma_wait3A_123 = arith.constant 0 : i32
    %dma_wait3A_124 = arith.constant 0 : i32
    %dma_wait3A_125 = tpu.memref_slice %arg4[%add3A_83, %dma_wait3A_123, %dma_wait3A_124] : memref<16384x50x64xf32, #tpu.memory_space<hbm>> -> memref<4x50x64xf32, #tpu.memory_space<hbm>>
    %dma_wait3A_126 = arith.constant 0 : i32
    %dma_wait3A_127 = arith.constant 0 : i32
    %dma_wait3A_128 = tpu.memref_slice %arg10[%dma_wait3A_126, %dma_wait3A_127] : memref<400x64xf32, #tpu.memory_space<vmem>> -> memref<200x64xf32, #tpu.memory_space<vmem>>
    %dma_wait3A_129 = tpu.memref_reshape %dma_wait3A_128 : memref<200x64xf32, #tpu.memory_space<vmem>> -> memref<4x50x64xf32, #tpu.memory_space<vmem>>
    tpu.wait_dma2 semaphore(%arg16 : memref<!tpu.dma_semaphore, #tpu.memory_space<semaphore_mem>>) src(%dma_wait3A_129 : memref<4x50x64xf32, #tpu.memory_space<vmem>>) dst(%dma_wait3A_125 : memref<4x50x64xf32, #tpu.memory_space<hbm>>)
    return
  }
}

</mosaic_0001>

<sc_bundles>
// kernel: kernel.3.cloned.1.call-start
scs
__scs_entry_jumppad:
0x0: {  	(pc) =	sbr.rel $0x88, $3  }
0x1: {  	(tag) =	ssettag $0x0;
	lr =	simm.s32 $0x1  }
0x2: {  	[smem:$0x3F9F] =	sst lr;
	_ =	strace $0xD0000000  }
0x3: {  	_ = 	snop  }
0x4: {  	_ = 	snop  }
0x5: {  	_ = 	snop  }
0x6: {  	_ = 	snop  }
0x7: {  	_ = 	snop  }
__scs_overlays_trampoline_lowered:
0x8: {  	[smem:$0x3FAE] =	sst s0  }
0x9: {  	[smem:$0x3FAF] =	sst s1  }
0xa: {  	[smem:$0x3FB0] =	sst s2  }
0xb: {  	[smem:$0x3FB1] =	sst s3  }
0xc: {  	[smem:$0x3FB2] =	sst s4  }
0xd: {  	[smem:$0x3FB3] =	sst s5  }
0xe: {  	[smem:$0x3FB4] =	sst s6  }
0xf: {  	[smem:$0x3FB5] =	sst s7  }
0x10: {  	[smem:$0x3FB6] =	sst s8  }
0x11: {  	[smem:$0x3FB7] =	sst s9;
	s0 =	simm.s32 @!p0 $0x0  }
0x12: {  	s1 =	sld [smem:$0x3F9D];
	s0 =	simm.s32 @p0 $0x1  }
0x13: {  	[smem:$0x3FB8] =	sst s0;
	s0 =	simm.s32 @!p1 $0x0  }
0x14: {  	s2 =	sld [smem:$0x3F9C];
	s0 =	simm.s32 @p1 $0x1  }
0x15: {  	[smem:$0x3FB9] =	sst s0;
	s0 =	simm.s32 @!p2 $0x0  }
0x16: {  	s3 =	sld [smem:$0x3FDB];
	s0 =	simm.s32 @p2 $0x1  }
0x17: {  	s4 =	simm.s32 $0x1BF5;
	[smem:$0x3FBB] =	sst s0  }
0x18: {  	s0 =	sld [smem:$0x3F9E];
	_ =	swait.ge [sflag:s4], $0x0  }
0x19: {  	s7 =	sld [smem:$0x3F9F]  }
0x1a: {  	s8 =	sadd.s32 $0xFFFFE003, lr  }
0x1b: {  	s9 =	sadd.s32 $0xFFFFFEF7, lr;
	s5 =	simm.s32 $0xFFFFFFFF;
	p2 =	slt.u32 s8, $0xFFFFF086  }
0x1c: {  	p1 =	slt.u32 s9, $0xF7A;
	s5 =	simm.s32 @!p2 $0x0  }
0x1d: {  	s5 =	simm.s32 @p1 $0x1;
	p0 =	seq.s32 s7, s2  }
0x1e: {  	s7 =	smul.u32 @!p0 $0xF7A, s2;
	p2 =	seq.s32 @!p0 s5, $0x0  }
0x1f: {  	s9 =	smul.u32 $0xF7A, s1;
	s8 =	simm.s32 @!p0 $0x1BF5;
	p2 =	por !p2, p0  }
0x20: {  	[sflag:s8] =	ssyncset.s32 @!p0 $0xFFFFF086;
	s6 =	sadd.s32 @!p0 s3, s7;
	s7 =	simm.s32 @!p0 $0x108  }
0x21: {  	s3 =	sadd.s32 s3, s9;
	s6 =	sadd.s32 @!p0 $0x88, s6;
	s7 =	simm.s32 @p2 $0x1082  }
0x22: {  	[simem:s7], [sflag:s8] =	dma.local @!p0 [hbm:s6], $0xF7A  }
0x23: {  	s9 =	sor.u32 $0xD0000000, s2;
	s6 =	simm.s32 $0x108;
	_ =	swait.ge @!p0 [sflag:s8], $0x0  }
0x24: {  	s3 =	sadd.s32 $0x88, s3;
	s6 =	simm.s32 @!p1 $0x1082;
	[sflag:s4] =	ssyncset.s32 $0xFFFFF086  }
0x25: {  	[simem:s6], [sflag:s4] =	dma.local [hbm:s3], $0xF7A  }
0x26: {  	[smem:$0x3F9F] =	sst s1;
	(tag) =	ssettag s2;
	_ =	strace s9  }
0x27: {  	s1 =	sld [smem:$0x3FAF]  }
0x28: {  	s2 =	sld [smem:$0x3FB0]  }
0x29: {  	s4 =	sld [smem:$0x3FB2]  }
0x2a: {  	p0 =	seq.s32 s5, $0x0;
	s5 =	sld [smem:$0x3FB3]  }
0x2b: {  	s6 =	sld [smem:$0x3FB4]  }
0x2c: {  	s7 =	sld [smem:$0x3FB5]  }
0x2d: {  	s3 =	simm.s32 $0x108;
	s8 =	sld [smem:$0x3FB6]  }
0x2e: {  	s3 =	simm.s32 @!p0 $0x1082;
	s9 =	sld [smem:$0x3FB7]  }
0x2f: {  	lr =	sadd.s32 s0, s3;
	s0 =	sld [smem:$0x3FAE]  }
0x30: {  	s3 =	sld [smem:$0x3FB1]  }
0x31: {  	[smem:$0x3FBA] =	sst s10  }
0x32: {  	s10 =	sld [smem:$0x3FB8];
	_ =	sdelay $0x3  }
0x33: {  	p0 =	seq.s32 s10, $0x1;
	s10 =	sld [smem:$0x3FBA];
	_ =	sdelay $0x3  }
0x34: {  	[smem:$0x3FBA] =	sst s10  }
0x35: {  	s10 =	sld [smem:$0x3FB9];
	_ =	sdelay $0x3  }
0x36: {  	p1 =	seq.s32 s10, $0x1;
	s10 =	sld [smem:$0x3FBA];
	_ =	sdelay $0x3  }
0x37: {  	[smem:$0x3FBA] =	sst s10  }
0x38: {  	s10 =	sld [smem:$0x3FBB]  }
0x39: {  	_ = 	snop;
	(pc) =	sbr.ind lr, $3  }
0x3a: {  	_ = 	snop  }
0x3b: {  	_ = 	snop  }
0x3c: {  	p2 =	seq.s32 s10, $0x1;
	s10 =	sld [smem:$0x3FBA]  }
0x3d: {  	_ =	shalt  }
0x3e: {  	_ =	shalt  }
0x3f: {  	_ =	shalt  }
0x40: {  	_ =	shalt  }
0x41: {  	_ =	shalt  }
0x42: {  	_ =	shalt  }
0x43: {  	_ =	shalt  }
0x44: {  	_ =	shalt  }
0x45: {  	_ =	shalt  }
0x46: {  	_ =	shalt  }
0x47: {  	_ =	shalt  }
0x48: {  	_ =	shalt  }
0x49: {  	_ =	shalt  }
0x4a: {  	_ =	shalt  }
0x4b: {  	_ =	shalt  }
0x4c: {  	_ =	shalt  }
0x4d: {  	_ =	shalt  }
0x4e: {  	_ =	shalt  }
0x4f: {  	_ =	shalt  }
0x50: {  	_ =	shalt  }
0x51: {  	_ =	shalt  }
0x52: {  	_ =	shalt  }
0x53: {  	_ =	shalt  }
0x54: {  	_ =	shalt  }
0x55: {  	_ =	shalt  }
0x56: {  	_ =	shalt  }
0x57: {  	_ =	shalt  }
0x58: {  	_ =	shalt  }
0x59: {  	_ =	shalt  }
0x5a: {  	_ =	shalt  }
0x5b: {  	_ =	shalt  }
0x5c: {  	_ =	shalt  }
0x5d: {  	_ =	shalt  }
0x5e: {  	_ =	shalt  }
0x5f: {  	_ =	shalt  }
0x60: {  	_ =	shalt  }
0x61: {  	_ =	shalt  }
0x62: {  	_ =	shalt  }
0x63: {  	_ =	shalt  }
0x64: {  	_ =	shalt  }
0x65: {  	_ =	shalt  }
0x66: {  	_ =	shalt  }
0x67: {  	_ =	shalt  }
0x68: {  	_ =	shalt  }
0x69: {  	_ =	shalt  }
0x6a: {  	_ =	shalt  }
0x6b: {  	_ =	shalt  }
0x6c: {  	_ =	shalt  }
0x6d: {  	_ =	shalt  }
0x6e: {  	_ =	shalt  }
0x6f: {  	_ =	shalt  }
0x70: {  	_ =	shalt  }
0x71: {  	_ =	shalt  }
0x72: {  	_ =	shalt  }
0x73: {  	_ =	shalt  }
0x74: {  	_ =	shalt  }
0x75: {  	_ =	shalt  }
0x76: {  	_ =	shalt  }
0x77: {  	_ =	shalt  }
0x78: {  	_ =	shalt  }
0x79: {  	_ =	shalt  }
0x7a: {  	_ =	shalt  }
0x7b: {  	_ =	shalt  }
0x7c: {  	_ =	shalt  }
0x7d: {  	_ =	shalt  }
0x7e: {  	_ =	shalt  }
0x7f: {  	_ =	shalt  }
0x80: {  	_ =	shalt  }
0x81: {  	_ =	shalt  }
0x82: {  	_ =	shalt  }
0x83: {  	_ =	shalt  }
0x84: {  	_ =	shalt  }
0x85: {  	_ =	shalt  }
0x86: {  	_ =	shalt  }
0x87: {  	_ =	shalt  }
.Lfunc_end0:
.L_simem_size_0:
called_computation_lowered:
.L_overlay_start_0:
0x88: {  	s2 =	sld [smem:$0x3FD9]  }
0x89: {  	s3 =	sld [smem:$0x3FFE];
	_ =	sdelay $0x1  }
0x8a: {  	s1 =	srdreg.scid  }
0x8b: {  	s0 =	sand.u32 $0x1, s1  }
0x8c: {  	s17 =	sshll.u32 s0, $0xA;
	s2 =	sadd.s32 s3, s2  }
0x8d: {  	s2 =	sadd.s32 s2, s17  }
0x8e: {  	[smem:$0x3FC6] =	sst s2  }
0x8f: {  	_ = 	snop  }
0x90: {  	s2 =	sld [smem:$0x3FD0];
	(tm) =	ssettm $0x1  }
0x91: {  	s18 =	sld [smem:$0x3FFB];
	_ =	sdelay $0x3  }
0x92: {  	_ =	strace s18  }
0x93: {  	s3 =	sld [smem:$0x3FFC];
	_ =	sdelay $0x3  }
0x94: {  	_ =	strace s3  }
0x95: {  	s3 =	sld [smem:$0x3FFD];
	_ =	sdelay $0x3  }
0x96: {  	_ =	strace s3  }
0x97: {  	_ =	strace $0x8FFFFFFF  }
0x98: {  	s19 =	sld [smem:$0x3FDB];
	_ =	sdelay $0x1  }
0x99: {  	s4 =	simm.s32 $_scs_section_size  }
0x9a: {  	s5 =	simm.s32 $_size__tile_overlayer_lowered;
	s6 =	simm.s32 $_tile_overlayer_lowered  }
0x9b: {  	s22 =	simm.s32 $0x1BFF;
	s21 =	sshll.u32 s6, $0x1;
	s3 =	sadd.s32 s4, s19  }
0x9c: {  	s7 =	simm.s32 $0x0;
	s20 =	sshll.u32 s5, $0x1;
	s5 =	sadd.s32 s21, s3  }
0x9d: {  	[timem:s7], [sflag:s22] =	dma.local [hbm:s5], s20  }
0x9e: {  	_ =	swait.ge [sflag:s22], s20  }
0x9f: {  	s4 =	ssub.s32 $0x0, s20;
	[sflag:s22] =	ssyncset.done $0x0  }
0xa0: {  	[sflag:s22] =	ssyncadd.s32 s4;
	_ =	sdelay $0x1  }
0xa1: {  	s23 =	simm.s32 $0x1B8B  }
0xa2: {  	_ =	swait.ge [sflag:s23], $0x1  }
0xa3: {  	[sflag:s23] =	ssyncset.done $0x0  }
0xa4: {  	s25 =	simm.s32 $0x1B8E;
	s24 =	sld [smem:$0x3FFE];
	[sflag:s23] =	ssyncadd.s32 $0xFFFFFFFF  }
0xa5: {  	s26 =	simm.s32 $execute0_lowered;
	[smem:$0x3FD2] =	sst s25  }
0xa6: {  	s5 =	sshll.u32 s26, $0x1;
	_ =	strace $0x80000046;
	[dreg:$0x1] =	wrdreg $0xFFFFFFFF  }
0xa7: {  	s28 =	simm.s32 $_size_execute0_lowered;
	s3 =	sadd.s32 s3, s5;
	[dreg:$0x0] =	wrdreg $0x0  }
0xa8: {  	s5 =	sshll.u32 s28, $0x1;
	[dreg:$0x2] =	wrdreg s3  }
0xa9: {  	[dreg:$0x3] =	wrdreg s5  }
0xaa: {  	[dreg:$0x4] =	wrdreg $0xC0  }
0xab: {  	_ =	task [dreg:s7], $0x5FFFF  }
0xac: {  	[dreg:$0x1] =	wrdreg $0xFFFFFFFF  }
0xad: {  	[dreg:$0x0] =	wrdreg $0x60  }
0xae: {  	[dreg:$0x2] =	wrdreg s24  }
0xaf: {  	[dreg:$0x3] =	wrdreg s2  }
0xb0: {  	[dreg:$0x4] =	wrdreg $0x9  }
0xb1: {  	_ =	task.clear_ibuf [dreg:s7], $0x5FFFF;
	_ =	strace $0x90000046  }
0xb2: {  	s29 =	simm.s32 $0x9;
	_ =	strace $0x80000048  }
0xb3: {  	_ =	swait.ge [sflag:s29], $0x1  }
0xb4: {  	[sflag:s29] =	ssyncadd.s32 $0xFFFFFFFF  }
0xb5: {  	_ =	strace $0x90000048  }
0xb6: {  	_ =	sfence  }
0xb7: {  	s30 =	sld [smem:$0x0];
	_ =	sdelay $0x2  }
0xb8: {  	s31 =	sshll.u32 s1, $0xD;
	s1 =	sshrl.u32 s1, $0x2  }
0xb9: {  	s3 =	sand.u32 $0x4000, s31;
	s1 =	sadd.s32 s1, s30  }
0xba: {  	s0 =	sor.u32 s3, s0;
	s1 =	sshll.u32 s1, $0x11  }
0xbb: {  	s0 =	sor.u32 s1, s0  }
0xbc: {  	s0 =	sadd.s32 $0x8F2B, s0  }
0xbd: {  	[sflag:s0] =	ssyncadd.remote.s32 $0x1  }
0xbe: {  	_ =	sfence.sel $0xFFFF  }
0xbf: {  	[dreg:$0x0] =	wrdreg $0xFFFFFFFF;
	(pc) =	sbr.abs _section_cstart, $3  }
0xc0: {  	[dreg:$0x1] =	wrdreg $0xFFFFFFFF  }
0xc1: {  	_ =	task.clear_ibuf [dreg:s7], $0x2FFFF;
	_ =	strace $0x9FFFFFFF  }
0xc2: {  	(tm) =	ssettm $0x7FFFFFFF  }
0xc3: {  	_ =	shalt  }
tec
execute0_lowered:
.L_overlay_start_1:
0x0: {  	(tag) =	ssettag $0x1  }
0x1: {  	s0 =	rddreg [dreg:$0x0];
	s1 =	srdreg.scid  }
0x2: {  	s3 =	stileid.u32;
	s2 =	rddreg [dreg:$0x1]  }
0x3: {  	s16 =	simm.s32 $0x100;
	s17 =	simm.s32 $0x1;
	s18 =	simm.s32 $0x190  }
0x4: {  	s19 =	simm.s32 $0x200;
	s28 =	simm.s32 $0x5;
	s29 =	simm.s32 $0x4  }
0x5: {  	s30 =	simm.s32 $0x6;
	s31 =	simm.s32 $0x0;
	s1 =	sand.u32 $0x1, s1  }
0x6: {  	s4 =	sshll.u32 s3, $0x1;
	s3 =	simm.s32 $0x0;
	s5 =	sadd.s32 $0xF42800, s0  }
0x7: {  	s7 =	sor.u32 s1, s4;
	[smem:$0x7FF] =	sst s3;
	s4 =	sadd.s32 $0x400, s0  }
0x8: {  	s20 =	ssub.s32 $0x2, s1;
	s8 =	smul.u32 $0x6400, s7;
	_ =	strace $0x80000047  }
0x9: {  	s9 =	sshrl.u32 s20, $0x1;
	s22 =	smul.u32 $0x380000, s7;
	s7 =	sshll.u32 s7, $0x9  }
0xa: {  	s0 =	ssub.s32 s20, s9;
	s20 =	simm.s32 $0x600;
	s21 =	sshrl.u32 s8, $0x3  }
0xb: {  	s1 =	sshrl.u32 s22, $0x3;
	s11 =	sor.u32 $0x320, s8;
	s6 =	sadd.s32 s2, s21  }
0xc: {  	s12 =	sor.u32 $0x3E8, s8;
	s15 =	smax.u32 s0, $0x1;
	s23 =	sadd.s32 $0x19, s6  }
0xd: {  	s22 =	simm.s32 $0x400;
	s24 =	sadd.s32 $0x32, s6;
	[dreg:$0x3] =	wrdreg s23  }
0xe: {  	s1 =	sadd.s32 s5, s1;
	s25 =	sadd.s32 $0x4B, s6;
	[dreg:$0x4] =	wrdreg s24  }
0xf: {  	s21 =	simm.s32 $0x2;
	s26 =	sadd.s32 $0x6E400, s1;
	[dreg:$0x5] =	wrdreg s25  }
0x10: {  	v0 =	vlaneseq.u32;
	s14 =	sadd.s32 $0x6F200, s1;
	[dreg:$0x6] =	wrdreg s26;
	s23 =	simm.s32 $0xCE00  }
0x11: {  	v0 =	vshrl.u32 v0, $0x1;
	s24 =	simm.s32 $0x3;
	s25 =	simm.s32 $0x1900;
	s26 =	simm.s32 $0x1C00  }
.LBB2_1:
0x12: {  	[tilespmem:s3], [sflag:$0x1] =	stream.linear.gather [hbm4b:s6+s3], $0xC8, $0x38;
	[tilespmem:$0x19600] =	vst v63  }
0x13: {  	v1 =	vor.u32 s3, v0;
	s0 =	rddreg [dreg:$0x3]  }
0x14: {  	[tilespmem:s16], [sflag:$0x2] =	stream.linear.gather [hbm4b:s0+s3], $0xC8, $0x38;
	[tilespmem:$0x19600] =	vst v63  }
0x15: {  	_ =	swait.ge [sflag:s17], $0xC8  }
0x16: {  	[sflag:s17] =	ssyncset.done $0x0  }
0x17: {  	[sflag:s17] =	ssyncadd.s32 $0xFFFFFF38  }
0x18: {  	v1 =	vld.idx.msk [tilespmem:v1+s3+$0x0], $0xffff  }
0x19: {  	s10 =	simm.s32 $0x8  }
0x1a: {  	v2 =	vor.u32 s10, v0;
	_ =	sdelay $0x2  }
0x1b: {  	v1 =	vshll.u32 v1, $0x1  }
0x1c: {  	[tilespmem:s19+$0x0] =	vst v1  }
0x1d: {  	v2 =	vld.idx.msk [tilespmem:v2+s3+$0x0], $0xffff  }
0x1e: {  	s13 =	simm.s32 $0x10  }
0x1f: {  	s1 =	simm.s32 $0x18;
	s0 =	simm.s32 $0x200;
	v1 =	vor.u32 s13, v0  }
.LBB2_2:
0x20: {  	p0 =	sne.s32 s1, $0xC0;
	_ =	sdelay $0x1  }
0x21: {  	s0 =	sadd.s32 $0x10, s0;
	v2 =	vshll.u32 v2, $0x1  }
.Ltmp0:
0x22: {  	[tilespmem:s0+$0x0] =	vst v2;
	(pc) =	sbr.rel @p0 .LBB2_2-.Ltmp0, $2  }
0x23: {  	v2 =	vld.idx.msk [tilespmem:v1+s3+$0x0], $0xffff;
	_ =	sdelay $0x2  }
0x24: {  	v1 =	vor.u32 s1, v0;
	s1 =	sadd.s32 $0x8, s1  }
0x25: {  	_ =	sdelay $0x1  }
0x26: {  	s0 =	sadd.s32 $0x10, s0;
	v2 =	vshll.u32 v2, $0x1  }
0x27: {  	[tilespmem:s0+$0x0] =	vst v2  }
0x28: {  	v1 =	vld.idx.msk [tilespmem:v1+s3+$0x0], $0xffff;
	_ =	sdelay $0x4  }
0x29: {  	s0 =	sadd.s32 $0x10, s0;
	v1 =	vshll.u32 v1, $0x1  }
0x2a: {  	s9 =	simm.s32 $0x0;
	s1 =	rddreg [dreg:$0x4];
	[tilespmem:s0+$0x0] =	vst v1  }
0x2b: {  	[tilespmem:s9], [sflag:$0x1] =	stream.linear.gather [hbm4b:s1+s9], $0xC8, $0x38;
	[tilespmem:$0x19600] =	vst v63  }
0x2c: {  	v1 =	vor.u32 s9, v0  }
0x2d: {  	[tilespmem:s20], [sflag:$0x3] =	stream.indirect.gather [hbm4b:s4+s18], $0x40, s19, s18, $0xb8;
	[tilespmem:$0x19600] =	vst v63  }
0x2e: {  	_ =	swait.ge [sflag:s21], $0xC8  }
0x2f: {  	[sflag:s21] =	ssyncset.done $0x0  }
0x30: {  	[sflag:s21] =	ssyncadd.s32 $0xFFFFFF38  }
0x31: {  	v1 =	vld.idx.msk [tilespmem:v1+s16+$0x0], $0xffff  }
0x32: {  	s10 =	simm.s32 $0x8  }
0x33: {  	v2 =	vor.u32 s10, v0;
	_ =	sdelay $0x2  }
0x34: {  	s0 =	simm.s32 $0x400;
	v1 =	vshll.u32 v1, $0x1  }
0x35: {  	[tilespmem:s0+$0x0] =	vst v1  }
0x36: {  	v2 =	vld.idx.msk [tilespmem:v2+s16+$0x0], $0xffff  }
0x37: {  	s13 =	simm.s32 $0x10  }
0x38: {  	s1 =	simm.s32 $0x18;
	v1 =	vor.u32 s13, v0  }
.LBB2_4:
0x39: {  	p0 =	sne.s32 s1, $0xC0;
	_ =	sdelay $0x1  }
0x3a: {  	s0 =	sadd.s32 $0x10, s0;
	v2 =	vshll.u32 v2, $0x1  }
.Ltmp1:
0x3b: {  	[tilespmem:s0+$0x0] =	vst v2;
	(pc) =	sbr.rel @p0 .LBB2_4-.Ltmp1, $2  }
0x3c: {  	v2 =	vld.idx.msk [tilespmem:v1+s16+$0x0], $0xffff;
	_ =	sdelay $0x2  }
0x3d: {  	v1 =	vor.u32 s1, v0;
	s1 =	sadd.s32 $0x8, s1  }
0x3e: {  	_ =	sdelay $0x1  }
0x3f: {  	s0 =	sadd.s32 $0x10, s0;
	v2 =	vshll.u32 v2, $0x1  }
0x40: {  	[tilespmem:s0+$0x0] =	vst v2  }
0x41: {  	v1 =	vld.idx.msk [tilespmem:v1+s16+$0x0], $0xffff;
	_ =	sdelay $0x4  }
0x42: {  	s0 =	sadd.s32 $0x10, s0;
	v1 =	vshll.u32 v1, $0x1  }
0x43: {  	s1 =	simm.s32 $0x0;
	s13 =	rddreg [dreg:$0x5];
	[tilespmem:s0+$0x0] =	vst v1  }
0x44: {  	[tilespmem:s16], [sflag:$0x2] =	stream.linear.gather [hbm4b:s13+s1], $0xC8, $0x38;
	[tilespmem:$0x19600] =	vst v63  }
0x45: {  	s0 =	simm.s32 $0x0  }
0x46: {  	[tilespmem:s23], [sflag:$0x4] =	stream.indirect.gather [hbm4b:s4+s18], $0x40, s22, s18, $0xb8;
	[tilespmem:$0x19600] =	vst v63  }
.LBB2_6:
0x47: {  	s8 =	sshll.u32 s0, $0x3  }
0x48: {  	s9 =	sadd.s32 s7, s8  }
0x49: {  	_ =	swait.ge [sflag:s24], $0x6400;
	s9 =	smul.u32 $0x380, s9  }
0x4a: {  	[sflag:s24] =	ssyncset.done $0x0  }
0x4b: {  	v1 =	vor.u32 s1, v0;
	[sflag:s24] =	ssyncadd.s32 $0xFFFF9C00;
	s9 =	sadd.s32 s5, s9  }
0x4c: {  	[hbm4b:s9+s25] =	stream.strided.scatter [tilespmem:s20], [sflag:$0x5], $0x6400, s26, s25, $0x38;
	[tilespmem:$0x19600] =	vst v63  }
0x4d: {  	_ =	swait.ge [sflag:s17], $0xC8  }
0x4e: {  	[sflag:s17] =	ssyncset.done $0x0  }
0x4f: {  	[sflag:s17] =	ssyncadd.s32 $0xFFFFFF38  }
0x50: {  	v1 =	vld.idx.msk [tilespmem:v1+s3+$0x0], $0xffff  }
0x51: {  	s13 =	simm.s32 $0x8  }
0x52: {  	v2 =	vor.u32 s13, v0;
	_ =	sdelay $0x2  }
0x53: {  	s9 =	simm.s32 $0x200;
	v1 =	vshll.u32 v1, $0x1  }
0x54: {  	[tilespmem:s9+$0x0] =	vst v1  }
0x55: {  	v2 =	vld.idx.msk [tilespmem:v2+s3+$0x0], $0xffff  }
0x56: {  	s10 =	simm.s32 $0x10  }
0x57: {  	v1 =	vor.u32 s10, v0;
	s10 =	simm.s32 $0x18  }
.LBB2_7:
0x58: {  	p0 =	sne.s32 s10, $0xC0;
	_ =	sdelay $0x1  }
0x59: {  	s9 =	sadd.s32 $0x10, s9;
	v2 =	vshll.u32 v2, $0x1  }
.Ltmp2:
0x5a: {  	[tilespmem:s9+$0x0] =	vst v2;
	(pc) =	sbr.rel @p0 .LBB2_7-.Ltmp2, $2  }
0x5b: {  	v2 =	vld.idx.msk [tilespmem:v1+s3+$0x0], $0xffff;
	_ =	sdelay $0x2  }
0x5c: {  	v1 =	vor.u32 s10, v0;
	s10 =	sadd.s32 $0x8, s10  }
0x5d: {  	_ =	sdelay $0x1  }
0x5e: {  	s10 =	sadd.s32 $0x10, s9;
	v2 =	vshll.u32 v2, $0x1  }
0x5f: {  	[tilespmem:s10+$0x0] =	vst v2  }
0x60: {  	s9 =	sshll.u32 s0, $0x1;
	v1 =	vld.idx.msk [tilespmem:v1+s3+$0x0], $0xffff  }
0x61: {  	s13 =	smin.u32 s9, $0x7B  }
0x62: {  	s13 =	smul.u32 $0xC8, s13;
	_ =	sdelay $0x1  }
0x63: {  	s13 =	sadd.s32 s13, s11  }
0x64: {  	s10 =	sadd.s32 $0x10, s10;
	s13 =	sshrl.u32 s13, $0x3;
	v1 =	vshll.u32 v1, $0x1  }
0x65: {  	[tilespmem:s10+$0x0] =	vst v1;
	s10 =	sadd.s32 s2, s13;
	s13 =	simm.s32 $0x0  }
0x66: {  	[tilespmem:s13], [sflag:$0x1] =	stream.linear.gather [hbm4b:s10+s13], $0xC8, $0x38;
	[tilespmem:$0x19600] =	vst v63  }
0x67: {  	_ =	swait.ge [sflag:s28], $0x6400  }
0x68: {  	s8 =	sadd.s32 s8, s7;
	[sflag:s28] =	ssyncset.done $0x0  }
0x69: {  	s8 =	smul.u32 $0x380, s8;
	[sflag:s28] =	ssyncadd.s32 $0xFFFF9C00  }
0x6a: {  	[tilespmem:s20], [sflag:$0x3] =	stream.indirect.gather [hbm4b:s4+s18], $0x40, s19, s18, $0xb8;
	[tilespmem:$0x19600] =	vst v63  }
0x6b: {  	_ =	swait.ge [sflag:s29], $0x6400  }
0x6c: {  	s8 =	sadd.s32 s5, s8;
	[sflag:s29] =	ssyncset.done $0x0  }
0x6d: {  	s8 =	sadd.s32 $0xE00, s8;
	v1 =	vor.u32 s13, v0;
	[sflag:s29] =	ssyncadd.s32 $0xFFFF9C00  }
0x6e: {  	[hbm4b:s8+s25] =	stream.strided.scatter [tilespmem:s23], [sflag:$0x6], $0x6400, s26, s25, $0x38;
	[tilespmem:$0x19600] =	vst v63  }
0x6f: {  	_ =	swait.ge [sflag:s21], $0xC8  }
0x70: {  	[sflag:s21] =	ssyncset.done $0x0  }
0x71: {  	[sflag:s21] =	ssyncadd.s32 $0xFFFFFF38  }
0x72: {  	v1 =	vld.idx.msk [tilespmem:v1+s16+$0x0], $0xffff  }
0x73: {  	s10 =	simm.s32 $0x8  }
0x74: {  	v2 =	vor.u32 s10, v0;
	_ =	sdelay $0x2  }
0x75: {  	s8 =	simm.s32 $0x400;
	v1 =	vshll.u32 v1, $0x1  }
0x76: {  	[tilespmem:s8+$0x0] =	vst v1  }
0x77: {  	v2 =	vld.idx.msk [tilespmem:v2+s16+$0x0], $0xffff  }
0x78: {  	s13 =	simm.s32 $0x10  }
0x79: {  	s10 =	simm.s32 $0x18;
	v1 =	vor.u32 s13, v0  }
.LBB2_9:
0x7a: {  	p0 =	sne.s32 s10, $0xC0;
	_ =	sdelay $0x1  }
0x7b: {  	s8 =	sadd.s32 $0x10, s8;
	v2 =	vshll.u32 v2, $0x1  }
.Ltmp3:
0x7c: {  	[tilespmem:s8+$0x0] =	vst v2;
	(pc) =	sbr.rel @p0 .LBB2_9-.Ltmp3, $2  }
0x7d: {  	v2 =	vld.idx.msk [tilespmem:v1+s16+$0x0], $0xffff;
	_ =	sdelay $0x2  }
0x7e: {  	v1 =	vor.u32 s10, v0;
	s10 =	sadd.s32 $0x8, s10  }
0x7f: {  	_ =	sdelay $0x1  }
0x80: {  	s8 =	sadd.s32 $0x10, s8;
	v2 =	vshll.u32 v2, $0x1  }
0x81: {  	[tilespmem:s8+$0x0] =	vst v2  }
0x82: {  	v1 =	vld.idx.msk [tilespmem:v1+s16+$0x0], $0xffff  }
0x83: {  	s9 =	smin.u32 s9, $0x7A  }
0x84: {  	s9 =	smul.u32 $0xC8, s9;
	_ =	sdelay $0x1  }
0x85: {  	s9 =	sadd.s32 s9, s12  }
0x86: {  	s0 =	sadd.s32 $0x1, s0;
	s8 =	sadd.s32 $0x10, s8;
	s9 =	sshrl.u32 s9, $0x3;
	v1 =	vshll.u32 v1, $0x1  }
0x87: {  	p0 =	sne.s32 s0, $0x3F;
	s13 =	sadd.s32 s2, s9;
	[tilespmem:s8+$0x0] =	vst v1  }
0x88: {  	[tilespmem:s16], [sflag:$0x2] =	stream.linear.gather [hbm4b:s13+s3], $0xC8, $0x38;
	[tilespmem:$0x19600] =	vst v63  }
.Ltmp4:
0x89: {  	_ = 	snop;
	(pc) =	sbr.rel @p0 .LBB2_6-.Ltmp4, $4  }
0x8a: {  	_ =	swait.ge [sflag:s30], $0x6400  }
0x8b: {  	[sflag:s30] =	ssyncset.done $0x0  }
0x8c: {  	[sflag:s30] =	ssyncadd.s32 $0xFFFF9C00  }
0x8d: {  	[tilespmem:s23], [sflag:$0x4] =	stream.indirect.gather [hbm4b:s4+s18], $0x40, s22, s18, $0xb8;
	[tilespmem:$0x19600] =	vst v63  }
0x8e: {  	_ =	swait.ge [sflag:s24], $0x6400  }
0x8f: {  	[sflag:s24] =	ssyncset.done $0x0  }
0x90: {  	s0 =	rddreg [dreg:$0x6];
	[sflag:s24] =	ssyncadd.s32 $0xFFFF9C00  }
0x91: {  	[hbm4b:s0+s25] =	stream.strided.scatter [tilespmem:s20], [sflag:$0x5], $0x6400, s26, s25, $0x38;
	[tilespmem:$0x19600] =	vst v63  }
0x92: {  	_ =	swait.ge [sflag:s29], $0x6400  }
0x93: {  	[sflag:s29] =	ssyncset.done $0x0  }
0x94: {  	[sflag:s29] =	ssyncadd.s32 $0xFFFF9C00  }
0x95: {  	[hbm4b:s14+s25] =	stream.strided.scatter [tilespmem:s23], [sflag:$0x6], $0x6400, s26, s25, $0x38;
	[tilespmem:$0x19600] =	vst v63  }
0x96: {  	_ =	swait.ge [sflag:s17], $0xC8  }
0x97: {  	[sflag:s17] =	ssyncset.done $0x0  }
0x98: {  	[sflag:s17] =	ssyncadd.s32 $0xFFFFFF38  }
0x99: {  	_ =	swait.ge [sflag:s21], $0xC8  }
0x9a: {  	[sflag:s21] =	ssyncset.done $0x0  }
0x9b: {  	s31 =	sadd.s32 $0x1, s31;
	[sflag:s21] =	ssyncadd.s32 $0xFFFFFF38  }
0x9c: {  	p0 =	sne.s32 s31, s15;
	_ =	swait.ge [sflag:s28], $0x6400  }
.Ltmp5:
0x9d: {  	[sflag:s28] =	ssyncset.done $0x0;
	(pc) =	sbr.rel @p0 .LBB2_1-.Ltmp5, $4  }
0x9e: {  	[sflag:s28] =	ssyncadd.s32 $0xFFFF9C00  }
0x9f: {  	_ =	swait.ge [sflag:s30], $0x6400  }
0xa0: {  	[sflag:s30] =	ssyncset.done $0x0  }
0xa1: {  	[sflag:s30] =	ssyncadd.s32 $0xFFFF9C00  }
0xa2: {  	_ =	sfence.sel $0x180000  }
0xa3: {  	[bflag:$0x0] =	sbarrier.arrive $0xFFFF  }
0xa4: {  	_ =	strace $0x90000047  }
0xa5: {  	s0 =	stileid.u32;
	[bflag:$0x2] =	sbarrier.arrive $0xFFFF  }
0xa6: {  	p0 =	sne.s32 s0, $0x0;
	s0 =	rddreg [dreg:$0x2]  }
0xa7: {  	s0 =	sadd.s32 @!p0 $0x100000, s0  }
0xa8: {  	[sflag:s0] =	ssyncadd.tile.s32 @!p0 $0x1;
	_ =	shalt  }
.Lfunc_end2:
_tile_overlayer_lowered:
.L_overlay_start_2:
0xa9: {  	(tag) =	ssettag $0x2  }
0xaa: {  	s0 =	rddreg [dreg:$0x0];
	s2 =	stileid.u32  }
0xab: {  	s1 =	rddreg [dreg:$0x1];
	p0 =	sne.s32 s2, $0x0  }
0xac: {  	s3 =	rddreg [dreg:$0x2];
	[bflag:$0x3] =	sbarrier.arrive $0xFFFF;
	s2 =	simm.s32 @!p0 $0x1C07  }
0xad: {  	[timem:s3], [sflag:s2] =	dma.local @!p0 [hbm:s0], s1  }
0xae: {  	s0 =	simm.s32 @!p0 $0x7  }
0xaf: {  	_ =	swait.ge @!p0 [sflag:s0], s1  }
0xb0: {  	s1 =	ssub.s32 @!p0 $0x0, s1;
	[sflag:s0] =	ssyncset.done @!p0 $0x0  }
0xb1: {  	[sflag:s0] =	ssyncadd.s32 @!p0 s1  }
0xb2: {  	[bflag:$0x3] =	sbarrier.arrive $0xFFFF  }
0xb3: {  	_ =	shalt  }

</sc_bundles>
